<compile_context>
chip_gen: v7x
topology: tpu7x:2x2x1
jax: 0.10.2.dev20260603
libtpu: 0.0.44.dev20260713+nightly
codegen_flags: <defaults>
</compile_context>

<pallas_src>
import functools

import jax
import jax.numpy as jnp
from jax import lax
from jax.experimental import pallas as pl
from jax.experimental.pallas import tpu as pltpu
from jax.experimental.pallas import tpu_sc as plsc

L_SPINS = 20
BATCH = 16384
DELTA = 1e-15
LN2 = 0.6931471805599453
PI = 3.141592653589793

NC = 2
NS = 16
LANES = 16
NW = NC * NS
B_PER_W = BATCH // NW
CHUNK = 128
NCHUNK = B_PER_W // CHUNK


def _log_angle(k):
    a = jnp.abs(k + jnp.float32(DELTA))
    bits = lax.bitcast_convert_type(a, jnp.int32)
    e = ((bits >> 23) & 0xFF).astype(jnp.float32) - 127.0
    m = lax.bitcast_convert_type((bits & 0x7FFFFF) | 0x3F800000, jnp.float32)
    t = (m - 1.0) / (m + 1.0)
    t2 = t * t
    poly = t * (2.0 + t2 * (2.0 / 3.0 + t2 * (2.0 / 5.0 + t2 * (2.0 / 7.0 + t2 * (2.0 / 9.0)))))
    re = e * jnp.float32(LN2) + poly
    im = jnp.where(k < 0.0, jnp.float32(PI), jnp.float32(0.0))
    return re, im


def _idx_body(s_ref, idx_ref):
    sh = (jnp.int32(L_SPINS - 1)
          - lax.broadcasted_iota(jnp.int32, (L_SPINS, 1), 0))
    idx_ref[...] = jnp.sum(s_ref[...] << sh, axis=0, keepdims=True)


_tc_indices = pl.pallas_call(
    _idx_body,
    out_shape=jax.ShapeDtypeStruct((1, BATCH), jnp.int32),
)


@functools.partial(
    pl.kernel,
    mesh=plsc.VectorSubcoreMesh(core_axis_name="c", subcore_axis_name="s"),
    out_type=jax.ShapeDtypeStruct((2, BATCH), jnp.float32),
    scratch_types=[
        pltpu.VMEM((B_PER_W,), jnp.int32),
        pltpu.VMEM((B_PER_W,), jnp.float32),
        pltpu.VMEM((2, B_PER_W), jnp.float32),
        pltpu.SemaphoreType.DMA,
        pltpu.SemaphoreType.DMA,
    ],
)
def _sc_lookup(idx_hbm, table_hbm, out_hbm,
               idx_v, k_v, ri_v, gsem, osem):
    wid = lax.axis_index("s") * NC + lax.axis_index("c")
    base = wid * B_PER_W

    pltpu.sync_copy(idx_hbm.at[0, pl.ds(base, B_PER_W)], idx_v)
    gathers = [
        pltpu.async_copy(table_hbm.at[idx_v.at[pl.ds(c * CHUNK, CHUNK)]],
                         k_v.at[pl.ds(c * CHUNK, CHUNK)], gsem)
        for c in range(NCHUNK)
    ]

    for g in gathers:
        g.wait()

    def epilogue(j, carry):
        sl = pl.ds(j * LANES, LANES)
        re, im = _log_angle(k_v[sl])
        ri_v[0, sl] = re
        ri_v[1, sl] = im
        return carry
    lax.fori_loop(0, B_PER_W // LANES, epilogue, 0)

    pltpu.async_copy(ri_v, out_hbm.at[:, pl.ds(base, B_PER_W)], osem).wait()


def kernel(s, kernel):
    idx = _tc_indices(s)
    ri = _sc_lookup(idx, kernel)
    return lax.complex(ri[0], ri[1])

# --- scband reference (transcript-rebuilt; emitter-appended) ---
"""Pipeline reference for scband-target-9500467659201 (READ-ONLY COPY).

The authoritative reference and input builder live on the scoring server;
editing this copy changes nothing except your own understanding.
"""

import jax, jax.numpy as jnp
import numpy as np

L = 20
D = 2.0
DELTA = 1e-15
BATCH = 16384


def setup_inputs(seed: int = 0) -> dict:
    key = jax.random.key(seed)
    k1, _ = jax.random.split(key)
    # spin configurations in {0, 1}, shape [L, batch] so the dot-product encoding
    # (d ** arange(L)) @ s[::-1] yields one Hilbert-space index per batch column
    s = jax.random.randint(k1, (L, BATCH), 0, 2, dtype=jnp.int32)
    # learned parameter: kernel over the full Hilbert space, init constant 1
    kernel = jnp.ones(int(D ** L), dtype=jnp.float32)
    return {"s": s, "kernel": kernel}


def reference(s, kernel):
    # idx = (d ** arange(L)) . s[::-1], cast to int -> gather into kernel table
    idx = (D ** jnp.arange(L)).dot(s[::-1]).astype(int)
    k = jnp.take(kernel, idx, axis=0)
    return jnp.log(jnp.abs(k + DELTA)) + 1j * jnp.angle(k)

if __name__ == "__main__":
    import jax
    _d = setup_inputs()
    print(jax.jit(kernel)(*tuple(_d.values())))

</pallas_src>

<mosaic_0001>
#map = affine_map<(d0, d1) -> (0, 0)>
#map1 = affine_map<(d0, d1) -> (0)>
module attributes {stable_mosaic.version = 14 : i64} {
  func.func @_sc_lookup(%arg0: i32, %arg1: i32, %arg2: memref<1x16384xi32, #tpu.memory_space<hbm>>, %arg3: memref<1048576xf32, #tpu.memory_space<hbm>>, %arg4: memref<2x16384xf32, #tpu.memory_space<hbm>>, %arg5: memref<512xi32, #tpu.memory_space<vmem>>, %arg6: memref<512xf32, #tpu.memory_space<vmem>>, %arg7: memref<2x512xf32, #tpu.memory_space<vmem>>, %arg8: memref<!tpu.dma_semaphore, #tpu.memory_space<semaphore_mem>>, %arg9: memref<!tpu.dma_semaphore, #tpu.memory_space<semaphore_mem>>) attributes {dimension_semantics = [#tpu.dimension_semantics<core_parallel>, #tpu.dimension_semantics<subcore_parallel>], iteration_bounds = array<i64: 2, 16>, scalar_prefetch = 0 : i64, scratch_operands = 5 : i64, tpu.core_type = #tpu.core_type<sc_vector_subcore>, window_params = [{transform_indices = #map}, {transform_indices = #map1}, {transform_indices = #map}]} {
    %mul3A = arith.constant 2 : i32
    %mul3A_0 = arith.muli %arg1, %mul3A : i32
    %add3A = arith.addi %mul3A_0, %arg0 : i32
    %mul3A_1 = arith.constant 512 : i32
    %mul3A_2 = arith.muli %add3A, %mul3A_1 : i32
    %run_scoped3A = arith.constant 0 : i32
    "tpu.region"() ({
      %run_scoped3A_62 = tpu.sem_alloc : memref<!tpu.dma_semaphore, #tpu.memory_space<semaphore_mem>>
      %dma_start3A_63 = tpu.memref_slice %arg2[%run_scoped3A, %mul3A_2] : memref<1x16384xi32, #tpu.memory_space<hbm>> -> memref<1x512xi32, #tpu.memory_space<hbm>>
      %dma_start3A_64 = tpu.memref_squeeze %dma_start3A_63 : memref<1x512xi32, #tpu.memory_space<hbm>> -> memref<512xi32, #tpu.memory_space<hbm>>
      %dma_start3A_65 = tpu.memref_slice %arg2[%run_scoped3A, %mul3A_2] : memref<1x16384xi32, #tpu.memory_space<hbm>> -> memref<1x512xi32, #tpu.memory_space<hbm>>
      %dma_start3A_66 = tpu.memref_squeeze %dma_start3A_65 : memref<1x512xi32, #tpu.memory_space<hbm>> -> memref<512xi32, #tpu.memory_space<hbm>>
      tpu.enqueue_dma source(%dma_start3A_66 : memref<512xi32, #tpu.memory_space<hbm>>) target(%arg5 : memref<512xi32, #tpu.memory_space<vmem>>) target_semaphore(%run_scoped3A_62 : memref<!tpu.dma_semaphore, #tpu.memory_space<semaphore_mem>>)
      %dma_wait3A_67 = tpu.memref_slice %arg2[%run_scoped3A, %mul3A_2] : memref<1x16384xi32, #tpu.memory_space<hbm>> -> memref<1x512xi32, #tpu.memory_space<hbm>>
      %dma_wait3A_68 = tpu.memref_squeeze %dma_wait3A_67 : memref<1x512xi32, #tpu.memory_space<hbm>> -> memref<512xi32, #tpu.memory_space<hbm>>
      %dma_wait3A_69 = tpu.memref_slice %arg2[%run_scoped3A, %mul3A_2] : memref<1x16384xi32, #tpu.memory_space<hbm>> -> memref<1x512xi32, #tpu.memory_space<hbm>>
      %dma_wait3A_70 = tpu.memref_squeeze %dma_wait3A_69 : memref<1x512xi32, #tpu.memory_space<hbm>> -> memref<512xi32, #tpu.memory_space<hbm>>
      tpu.wait_dma2 semaphore(%run_scoped3A_62 : memref<!tpu.dma_semaphore, #tpu.memory_space<semaphore_mem>>) src(%dma_wait3A_70 : memref<512xi32, #tpu.memory_space<hbm>>) dst(%arg5 : memref<512xi32, #tpu.memory_space<vmem>>)
      tpu.yield
    }) : () -> ()
    %dma_start3A = arith.constant 0 : i32
    %dma_start3A_3 = tpu.memref_slice %arg6[%dma_start3A] : memref<512xf32, #tpu.memory_space<vmem>> -> memref<128xf32, #tpu.memory_space<vmem>>
    %dma_start3A_4 = arith.constant 0 : i32
    %dma_start3A_5 = tpu.memref_slice %arg5[%dma_start3A_4] : memref<512xi32, #tpu.memory_space<vmem>> -> memref<128xi32, #tpu.memory_space<vmem>>
    %dma_start3A_6 = arith.constant 0 : i32
    %dma_start3A_7 = tpu.memref_slice %arg3[%dma_start3A_6] : memref<1048576xf32, #tpu.memory_space<hbm>> -> memref<1048576xf32, #tpu.memory_space<hbm>>
    tpu.enqueue_indirect_dma source(%dma_start3A_7 : memref<1048576xf32, #tpu.memory_space<hbm>>) target(%dma_start3A_3 : memref<128xf32, #tpu.memory_space<vmem>>) offsets(%dma_start3A_5 : memref<128xi32, #tpu.memory_space<vmem>>) semaphore(%arg8 : memref<!tpu.dma_semaphore, #tpu.memory_space<semaphore_mem>>)
    %dma_start3A_8 = arith.constant 128 : i32
    %dma_start3A_9 = tpu.memref_slice %arg6[%dma_start3A_8] : memref<512xf32, #tpu.memory_space<vmem>> -> memref<128xf32, #tpu.memory_space<vmem>>
    %dma_start3A_10 = arith.constant 128 : i32
    %dma_start3A_11 = tpu.memref_slice %arg5[%dma_start3A_10] : memref<512xi32, #tpu.memory_space<vmem>> -> memref<128xi32, #tpu.memory_space<vmem>>
    %dma_start3A_12 = arith.constant 0 : i32
    %dma_start3A_13 = tpu.memref_slice %arg3[%dma_start3A_12] : memref<1048576xf32, #tpu.memory_space<hbm>> -> memref<1048576xf32, #tpu.memory_space<hbm>>
    tpu.enqueue_indirect_dma source(%dma_start3A_13 : memref<1048576xf32, #tpu.memory_space<hbm>>) target(%dma_start3A_9 : memref<128xf32, #tpu.memory_space<vmem>>) offsets(%dma_start3A_11 : memref<128xi32, #tpu.memory_space<vmem>>) semaphore(%arg8 : memref<!tpu.dma_semaphore, #tpu.memory_space<semaphore_mem>>)
    %dma_start3A_14 = arith.constant 256 : i32
    %dma_start3A_15 = tpu.memref_slice %arg6[%dma_start3A_14] : memref<512xf32, #tpu.memory_space<vmem>> -> memref<128xf32, #tpu.memory_space<vmem>>
    %dma_start3A_16 = arith.constant 256 : i32
    %dma_start3A_17 = tpu.memref_slice %arg5[%dma_start3A_16] : memref<512xi32, #tpu.memory_space<vmem>> -> memref<128xi32, #tpu.memory_space<vmem>>
    %dma_start3A_18 = arith.constant 0 : i32
    %dma_start3A_19 = tpu.memref_slice %arg3[%dma_start3A_18] : memref<1048576xf32, #tpu.memory_space<hbm>> -> memref<1048576xf32, #tpu.memory_space<hbm>>
    tpu.enqueue_indirect_dma source(%dma_start3A_19 : memref<1048576xf32, #tpu.memory_space<hbm>>) target(%dma_start3A_15 : memref<128xf32, #tpu.memory_space<vmem>>) offsets(%dma_start3A_17 : memref<128xi32, #tpu.memory_space<vmem>>) semaphore(%arg8 : memref<!tpu.dma_semaphore, #tpu.memory_space<semaphore_mem>>)
    %dma_start3A_20 = arith.constant 384 : i32
    %dma_start3A_21 = tpu.memref_slice %arg6[%dma_start3A_20] : memref<512xf32, #tpu.memory_space<vmem>> -> memref<128xf32, #tpu.memory_space<vmem>>
    %dma_start3A_22 = arith.constant 384 : i32
    %dma_start3A_23 = tpu.memref_slice %arg5[%dma_start3A_22] : memref<512xi32, #tpu.memory_space<vmem>> -> memref<128xi32, #tpu.memory_space<vmem>>
    %dma_start3A_24 = arith.constant 0 : i32
    %dma_start3A_25 = tpu.memref_slice %arg3[%dma_start3A_24] : memref<1048576xf32, #tpu.memory_space<hbm>> -> memref<1048576xf32, #tpu.memory_space<hbm>>
    tpu.enqueue_indirect_dma source(%dma_start3A_25 : memref<1048576xf32, #tpu.memory_space<hbm>>) target(%dma_start3A_21 : memref<128xf32, #tpu.memory_space<vmem>>) offsets(%dma_start3A_23 : memref<128xi32, #tpu.memory_space<vmem>>) semaphore(%arg8 : memref<!tpu.dma_semaphore, #tpu.memory_space<semaphore_mem>>)
    %dma_wait3A = arith.constant 0 : i32
    %dma_wait3A_26 = tpu.memref_slice %arg6[%dma_wait3A] : memref<512xf32, #tpu.memory_space<vmem>> -> memref<128xf32, #tpu.memory_space<vmem>>
    %dma_wait3A_27 = arith.constant 0 : i32
    %dma_wait3A_28 = tpu.memref_slice %arg5[%dma_wait3A_27] : memref<512xi32, #tpu.memory_space<vmem>> -> memref<128xi32, #tpu.memory_space<vmem>>
    %dma_wait3A_29 = arith.constant 0 : i32
    %dma_wait3A_30 = tpu.memref_slice %arg3[%dma_wait3A_29] : memref<1048576xf32, #tpu.memory_space<hbm>> -> memref<1048576xf32, #tpu.memory_space<hbm>>
    tpu.wait_indirect_dma semaphore(%arg8 : memref<!tpu.dma_semaphore, #tpu.memory_space<semaphore_mem>>) src(%dma_wait3A_30 : memref<1048576xf32, #tpu.memory_space<hbm>>) dst(%dma_wait3A_26 : memref<128xf32, #tpu.memory_space<vmem>>)
    %dma_wait3A_31 = arith.constant 128 : i32
    %dma_wait3A_32 = tpu.memref_slice %arg6[%dma_wait3A_31] : memref<512xf32, #tpu.memory_space<vmem>> -> memref<128xf32, #tpu.memory_space<vmem>>
    %dma_wait3A_33 = arith.constant 128 : i32
    %dma_wait3A_34 = tpu.memref_slice %arg5[%dma_wait3A_33] : memref<512xi32, #tpu.memory_space<vmem>> -> memref<128xi32, #tpu.memory_space<vmem>>
    %dma_wait3A_35 = arith.constant 0 : i32
    %dma_wait3A_36 = tpu.memref_slice %arg3[%dma_wait3A_35] : memref<1048576xf32, #tpu.memory_space<hbm>> -> memref<1048576xf32, #tpu.memory_space<hbm>>
    tpu.wait_indirect_dma semaphore(%arg8 : memref<!tpu.dma_semaphore, #tpu.memory_space<semaphore_mem>>) src(%dma_wait3A_36 : memref<1048576xf32, #tpu.memory_space<hbm>>) dst(%dma_wait3A_32 : memref<128xf32, #tpu.memory_space<vmem>>)
    %dma_wait3A_37 = arith.constant 256 : i32
    %dma_wait3A_38 = tpu.memref_slice %arg6[%dma_wait3A_37] : memref<512xf32, #tpu.memory_space<vmem>> -> memref<128xf32, #tpu.memory_space<vmem>>
    %dma_wait3A_39 = arith.constant 256 : i32
    %dma_wait3A_40 = tpu.memref_slice %arg5[%dma_wait3A_39] : memref<512xi32, #tpu.memory_space<vmem>> -> memref<128xi32, #tpu.memory_space<vmem>>
    %dma_wait3A_41 = arith.constant 0 : i32
    %dma_wait3A_42 = tpu.memref_slice %arg3[%dma_wait3A_41] : memref<1048576xf32, #tpu.memory_space<hbm>> -> memref<1048576xf32, #tpu.memory_space<hbm>>
    tpu.wait_indirect_dma semaphore(%arg8 : memref<!tpu.dma_semaphore, #tpu.memory_space<semaphore_mem>>) src(%dma_wait3A_42 : memref<1048576xf32, #tpu.memory_space<hbm>>) dst(%dma_wait3A_38 : memref<128xf32, #tpu.memory_space<vmem>>)
    %dma_wait3A_43 = arith.constant 384 : i32
    %dma_wait3A_44 = tpu.memref_slice %arg6[%dma_wait3A_43] : memref<512xf32, #tpu.memory_space<vmem>> -> memref<128xf32, #tpu.memory_space<vmem>>
    %dma_wait3A_45 = arith.constant 384 : i32
    %dma_wait3A_46 = tpu.memref_slice %arg5[%dma_wait3A_45] : memref<512xi32, #tpu.memory_space<vmem>> -> memref<128xi32, #tpu.memory_space<vmem>>
    %dma_wait3A_47 = arith.constant 0 : i32
    %dma_wait3A_48 = tpu.memref_slice %arg3[%dma_wait3A_47] : memref<1048576xf32, #tpu.memory_space<hbm>> -> memref<1048576xf32, #tpu.memory_space<hbm>>
    tpu.wait_indirect_dma semaphore(%arg8 : memref<!tpu.dma_semaphore, #tpu.memory_space<semaphore_mem>>) src(%dma_wait3A_48 : memref<1048576xf32, #tpu.memory_space<hbm>>) dst(%dma_wait3A_44 : memref<128xf32, #tpu.memory_space<vmem>>)
    %scan3A = arith.constant 0 : i32
    %scan3A_49 = arith.constant 0 : i32
    %scan3A_50 = arith.constant 32 : i32
    %scan3A_51 = arith.addi %scan3A_49, %scan3A_50 : i32
    %scan3A_52 = arith.constant 1 : i32
    scf.for %scan3A_62 = %scan3A_49 to %scan3A_51 step %scan3A_52  : i32 {
      %mul3A_63 = arith.constant 16 : i32
      %mul3A_64 = arith.muli %scan3A_62, %mul3A_63 : i32
      %get3A = arith.index_cast %mul3A_64 : i32 to index
      %get3A_65 = tpu.vector_load %arg6[%get3A] {strides = array<i32>} : memref<512xf32, #tpu.memory_space<vmem>>, vector<16xf32>,
      %get3A_66 = vector.shape_cast %get3A_65 : vector<16xf32> to vector<16xf32>
      %add3A_67 = arith.constant 1.000000e-15 : f32
      %add3A_68 = vector.broadcast %add3A_67 : f32 to vector<16xf32>
      %add3A_69 = arith.addf %get3A_66, %add3A_68 : vector<16xf32>
      %abs3A = math.absf %add3A_69 : vector<16xf32>
      %bitcast_convert_type3A = tpu.bitcast %abs3A : vector<16xf32> -> vector<16xi32>
      %shift_right_arithmetic3A = arith.constant 23 : i32
      %shift_right_arithmetic3A_70 = vector.broadcast %shift_right_arithmetic3A : i32 to vector<16xi32>
      %shift_right_arithmetic3A_71 = arith.shrsi %bitcast_convert_type3A, %shift_right_arithmetic3A_70 : vector<16xi32>
      %and3A = arith.constant 255 : i32
      %and3A_72 = vector.broadcast %and3A : i32 to vector<16xi32>
      %and3A_73 = arith.andi %shift_right_arithmetic3A_71, %and3A_72 : vector<16xi32>
      %convert_element_type3A = arith.sitofp %and3A_73 : vector<16xi32> to vector<16xf32>
      %sub3A = arith.constant 1.270000e+02 : f32
      %sub3A_74 = vector.broadcast %sub3A : f32 to vector<16xf32>
      %sub3A_75 = arith.subf %convert_element_type3A, %sub3A_74 : vector<16xf32>
      %and3A_76 = arith.constant 8388607 : i32
      %and3A_77 = vector.broadcast %and3A_76 : i32 to vector<16xi32>
      %and3A_78 = arith.andi %bitcast_convert_type3A, %and3A_77 : vector<16xi32>
      %or3A = arith.constant 1065353216 : i32
      %or3A_79 = vector.broadcast %or3A : i32 to vector<16xi32>
      %or3A_80 = arith.ori %and3A_78, %or3A_79 : vector<16xi32>
      %bitcast_convert_type3A_81 = tpu.bitcast %or3A_80 : vector<16xi32> -> vector<16xf32>
      %sub3A_82 = arith.constant 1.000000e+00 : f32
      %sub3A_83 = vector.broadcast %sub3A_82 : f32 to vector<16xf32>
      %sub3A_84 = arith.subf %bitcast_convert_type3A_81, %sub3A_83 : vector<16xf32>
      %add3A_85 = arith.constant 1.000000e+00 : f32
      %add3A_86 = vector.broadcast %add3A_85 : f32 to vector<16xf32>
      %add3A_87 = arith.addf %bitcast_convert_type3A_81, %add3A_86 : vector<16xf32>
      %div3A = arith.divf %sub3A_84, %add3A_87 : vector<16xf32>
      %mul3A_88 = arith.mulf %div3A, %div3A : vector<16xf32>
      %mul3A_89 = arith.constant 0.222222224 : f32
      %mul3A_90 = vector.broadcast %mul3A_89 : f32 to vector<16xf32>
      %mul3A_91 = arith.mulf %mul3A_88, %mul3A_90 : vector<16xf32>
      %add3A_92 = arith.constant 0.285714298 : f32
      %add3A_93 = vector.broadcast %add3A_92 : f32 to vector<16xf32>
      %add3A_94 = arith.addf %add3A_93, %mul3A_91 : vector<16xf32>
      %mul3A_95 = arith.mulf %mul3A_88, %add3A_94 : vector<16xf32>
      %add3A_96 = arith.constant 4.000000e-01 : f32
      %add3A_97 = vector.broadcast %add3A_96 : f32 to vector<16xf32>
      %add3A_98 = arith.addf %add3A_97, %mul3A_95 : vector<16xf32>
      %mul3A_99 = arith.mulf %mul3A_88, %add3A_98 : vector<16xf32>
      %add3A_100 = arith.constant 0.666666686 : f32
      %add3A_101 = vector.broadcast %add3A_100 : f32 to vector<16xf32>
      %add3A_102 = arith.addf %add3A_101, %mul3A_99 : vector<16xf32>
      %mul3A_103 = arith.mulf %mul3A_88, %add3A_102 : vector<16xf32>
      %add3A_104 = arith.constant 2.000000e+00 : f32
      %add3A_105 = vector.broadcast %add3A_104 : f32 to vector<16xf32>
      %add3A_106 = arith.addf %add3A_105, %mul3A_103 : vector<16xf32>
      %mul3A_107 = arith.mulf %div3A, %add3A_106 : vector<16xf32>
      %mul3A_108 = arith.constant 0.693147182 : f32
      %mul3A_109 = vector.broadcast %mul3A_108 : f32 to vector<16xf32>
      %mul3A_110 = arith.mulf %sub3A_75, %mul3A_109 : vector<16xf32>
      %add3A_111 = arith.addf %mul3A_110, %mul3A_107 : vector<16xf32>
      %lt3A = arith.constant 0.000000e+00 : f32
      %lt3A_112 = vector.broadcast %lt3A : f32 to vector<16xf32>
      %lt3A_113 = arith.cmpf olt, %get3A_66, %lt3A_112 : vector<16xf32>
      %jit3A = arith.constant 3.14159274 : f32
      %jit3A_114 = arith.constant 0.000000e+00 : f32
      %broadcast_in_dim3A = vector.broadcast %jit3A : f32 to vector<16xf32>
      %broadcast_in_dim3A_115 = vector.broadcast %jit3A_114 : f32 to vector<16xf32>
      %select_n3A = arith.select %lt3A_113, %broadcast_in_dim3A, %broadcast_in_dim3A_115 : vector<16xi1>, vector<16xf32>
      %swap3A = arith.constant 0 : i32
      %swap3A_116 = arith.index_cast %swap3A : i32 to index
      %swap3A_117 = arith.index_cast %mul3A_64 : i32 to index
      %swap3A_118 = tpu.vector_load %arg7[%swap3A_116, %swap3A_117] {strides = array<i32>} : memref<2x512xf32, #tpu.memory_space<vmem>>, vector<1x16xf32>,
      %swap3A_119 = vector.shape_cast %swap3A_118 : vector<1x16xf32> to vector<16xf32>
      %swap3A_120 = vector.shape_cast %add3A_111 : vector<16xf32> to vector<1x16xf32>
      tpu.vector_store %arg7[%swap3A_116, %swap3A_117], %swap3A_120 {strides = array<i32>} : memref<2x512xf32, #tpu.memory_space<vmem>>, vector<1x16xf32>,
      %swap3A_121 = arith.constant 1 : i32
      %swap3A_122 = arith.index_cast %swap3A_121 : i32 to index
      %swap3A_123 = arith.index_cast %mul3A_64 : i32 to index
      %swap3A_124 = tpu.vector_load %arg7[%swap3A_122, %swap3A_123] {strides = array<i32>} : memref<2x512xf32, #tpu.memory_space<vmem>>, vector<1x16xf32>,
      %swap3A_125 = vector.shape_cast %swap3A_124 : vector<1x16xf32> to vector<16xf32>
      %swap3A_126 = vector.shape_cast %select_n3A : vector<16xf32> to vector<1x16xf32>
      tpu.vector_store %arg7[%swap3A_122, %swap3A_123], %swap3A_126 {strides = array<i32>} : memref<2x512xf32, #tpu.memory_space<vmem>>, vector<1x16xf32>,
    }
    %scan3A_53 = arith.constant 32 : i32
    %dma_start3A_54 = arith.constant 0 : i32
    %dma_start3A_55 = tpu.memref_slice %arg4[%dma_start3A_54, %mul3A_2] : memref<2x16384xf32, #tpu.memory_space<hbm>> -> memref<2x512xf32, #tpu.memory_space<hbm>>
    %dma_start3A_56 = arith.constant 0 : i32
    %dma_start3A_57 = tpu.memref_slice %arg4[%dma_start3A_56, %mul3A_2] : memref<2x16384xf32, #tpu.memory_space<hbm>> -> memref<2x512xf32, #tpu.memory_space<hbm>>
    tpu.enqueue_dma source(%arg7 : memref<2x512xf32, #tpu.memory_space<vmem>>) target(%dma_start3A_57 : memref<2x512xf32, #tpu.memory_space<hbm>>) target_semaphore(%arg9 : memref<!tpu.dma_semaphore, #tpu.memory_space<semaphore_mem>>)
    %dma_wait3A_58 = arith.constant 0 : i32
    %dma_wait3A_59 = tpu.memref_slice %arg4[%dma_wait3A_58, %mul3A_2] : memref<2x16384xf32, #tpu.memory_space<hbm>> -> memref<2x512xf32, #tpu.memory_space<hbm>>
    %dma_wait3A_60 = arith.constant 0 : i32
    %dma_wait3A_61 = tpu.memref_slice %arg4[%dma_wait3A_60, %mul3A_2] : memref<2x16384xf32, #tpu.memory_space<hbm>> -> memref<2x512xf32, #tpu.memory_space<hbm>>
    tpu.wait_dma2 semaphore(%arg9 : memref<!tpu.dma_semaphore, #tpu.memory_space<semaphore_mem>>) src(%arg7 : memref<2x512xf32, #tpu.memory_space<vmem>>) dst(%dma_wait3A_61 : memref<2x512xf32, #tpu.memory_space<hbm>>)
    return
  }
}

module attributes {stable_mosaic.version = 14 : i64} {
  func.func @_idx_body(%arg0: memref<20x16384xi32, #tpu.memory_space<vmem>>, %arg1: memref<1x16384xi32, #tpu.memory_space<vmem>>) attributes {dimension_semantics = [], scalar_prefetch = 0 : i64, scratch_operands = 0 : i64, tpu.core_type = #tpu.core_type<tc>} {
    %iota3A = tpu.iota {dimensions = array<i32: 0>} : vector<20x1xi32>
    %sub3A = arith.constant 19 : i32
    %sub3A_0 = vector.broadcast %sub3A : i32 to vector<20x1xi32>
    %sub3A_1 = arith.subi %sub3A_0, %iota3A : vector<20x1xi32>
    %get3A = arith.constant 0 : index
    %get3A_2 = arith.constant 0 : index
    %get3A_3 = vector.load %arg0[%get3A, %get3A_2] : memref<20x16384xi32, #tpu.memory_space<vmem>>, vector<20x16384xi32>
    %shift_left3A = vector.broadcast %sub3A_1 : vector<20x1xi32> to vector<20x16384xi32>
    %shift_left3A_4 = arith.shli %get3A_3, %shift_left3A : vector<20x16384xi32>
    %reduce_sum3A = arith.constant dense<0> : vector<16384xi32>
    %reduce_sum3A_5 = vector.multi_reduction <add>, %shift_left3A_4, %reduce_sum3A [0] : vector<20x16384xi32> to vector<16384xi32>
    %broadcast_in_dim3A = vector.shape_cast %reduce_sum3A_5 : vector<16384xi32> to vector<1x16384xi32>
    %swap3A = arith.constant 0 : index
    %swap3A_6 = arith.constant 0 : index
    %swap3A_7 = vector.load %arg1[%swap3A, %swap3A_6] : memref<1x16384xi32, #tpu.memory_space<vmem>>, vector<1x16384xi32>
    tpu.vector_store %arg1[%swap3A, %swap3A_6], %broadcast_in_dim3A {strides = array<i32>} : memref<1x16384xi32, #tpu.memory_space<vmem>>, vector<1x16384xi32>,
    return
  }
}

</mosaic_0001>

<sc_bundles>
// kernel: kernel.5.cloned.1.call-start
scs
__scs_entry_jumppad:
0x0: {  	(pc) =	sbr.rel $0x88, $3  }
0x1: {  	(tag) =	ssettag $0x0;
	lr =	simm.s32 $0x1  }
0x2: {  	[smem:$0x3F9F] =	sst lr;
	_ =	strace $0xD0000000  }
0x3: {  	_ = 	snop  }
0x4: {  	_ = 	snop  }
0x5: {  	_ = 	snop  }
0x6: {  	_ = 	snop  }
0x7: {  	_ = 	snop  }
__scs_overlays_trampoline_lowered:
0x8: {  	[smem:$0x3FAE] =	sst s0  }
0x9: {  	[smem:$0x3FAF] =	sst s1  }
0xa: {  	[smem:$0x3FB0] =	sst s2  }
0xb: {  	[smem:$0x3FB1] =	sst s3  }
0xc: {  	[smem:$0x3FB2] =	sst s4  }
0xd: {  	[smem:$0x3FB3] =	sst s5  }
0xe: {  	[smem:$0x3FB4] =	sst s6  }
0xf: {  	[smem:$0x3FB5] =	sst s7  }
0x10: {  	[smem:$0x3FB6] =	sst s8  }
0x11: {  	[smem:$0x3FB7] =	sst s9;
	s0 =	simm.s32 @!p0 $0x0  }
0x12: {  	s1 =	sld [smem:$0x3F9D];
	s0 =	simm.s32 @p0 $0x1  }
0x13: {  	[smem:$0x3FB8] =	sst s0;
	s0 =	simm.s32 @!p1 $0x0  }
0x14: {  	s2 =	sld [smem:$0x3F9C];
	s0 =	simm.s32 @p1 $0x1  }
0x15: {  	[smem:$0x3FB9] =	sst s0;
	s0 =	simm.s32 @!p2 $0x0  }
0x16: {  	s3 =	sld [smem:$0x3FDB];
	s0 =	simm.s32 @p2 $0x1  }
0x17: {  	s4 =	simm.s32 $0x1BF5;
	[smem:$0x3FBB] =	sst s0  }
0x18: {  	s0 =	sld [smem:$0x3F9E];
	_ =	swait.ge [sflag:s4], $0x0  }
0x19: {  	s7 =	sld [smem:$0x3F9F]  }
0x1a: {  	s8 =	sadd.s32 $0xFFFFE003, lr  }
0x1b: {  	s9 =	sadd.s32 $0xFFFFFEF7, lr;
	s5 =	simm.s32 $0xFFFFFFFF;
	p2 =	slt.u32 s8, $0xFFFFF086  }
0x1c: {  	p1 =	slt.u32 s9, $0xF7A;
	s5 =	simm.s32 @!p2 $0x0  }
0x1d: {  	s5 =	simm.s32 @p1 $0x1;
	p0 =	seq.s32 s7, s2  }
0x1e: {  	s7 =	smul.u32 @!p0 $0xF7A, s2;
	p2 =	seq.s32 @!p0 s5, $0x0  }
0x1f: {  	s9 =	smul.u32 $0xF7A, s1;
	s8 =	simm.s32 @!p0 $0x1BF5;
	p2 =	por !p2, p0  }
0x20: {  	[sflag:s8] =	ssyncset.s32 @!p0 $0xFFFFF086;
	s6 =	sadd.s32 @!p0 s3, s7;
	s7 =	simm.s32 @!p0 $0x108  }
0x21: {  	s3 =	sadd.s32 s3, s9;
	s6 =	sadd.s32 @!p0 $0x88, s6;
	s7 =	simm.s32 @p2 $0x1082  }
0x22: {  	[simem:s7], [sflag:s8] =	dma.local @!p0 [hbm:s6], $0xF7A  }
0x23: {  	s9 =	sor.u32 $0xD0000000, s2;
	s6 =	simm.s32 $0x108;
	_ =	swait.ge @!p0 [sflag:s8], $0x0  }
0x24: {  	s3 =	sadd.s32 $0x88, s3;
	s6 =	simm.s32 @!p1 $0x1082;
	[sflag:s4] =	ssyncset.s32 $0xFFFFF086  }
0x25: {  	[simem:s6], [sflag:s4] =	dma.local [hbm:s3], $0xF7A  }
0x26: {  	[smem:$0x3F9F] =	sst s1;
	(tag) =	ssettag s2;
	_ =	strace s9  }
0x27: {  	s1 =	sld [smem:$0x3FAF]  }
0x28: {  	s2 =	sld [smem:$0x3FB0]  }
0x29: {  	s4 =	sld [smem:$0x3FB2]  }
0x2a: {  	p0 =	seq.s32 s5, $0x0;
	s5 =	sld [smem:$0x3FB3]  }
0x2b: {  	s6 =	sld [smem:$0x3FB4]  }
0x2c: {  	s7 =	sld [smem:$0x3FB5]  }
0x2d: {  	s3 =	simm.s32 $0x108;
	s8 =	sld [smem:$0x3FB6]  }
0x2e: {  	s3 =	simm.s32 @!p0 $0x1082;
	s9 =	sld [smem:$0x3FB7]  }
0x2f: {  	lr =	sadd.s32 s0, s3;
	s0 =	sld [smem:$0x3FAE]  }
0x30: {  	s3 =	sld [smem:$0x3FB1]  }
0x31: {  	[smem:$0x3FBA] =	sst s10  }
0x32: {  	s10 =	sld [smem:$0x3FB8];
	_ =	sdelay $0x3  }
0x33: {  	p0 =	seq.s32 s10, $0x1;
	s10 =	sld [smem:$0x3FBA];
	_ =	sdelay $0x3  }
0x34: {  	[smem:$0x3FBA] =	sst s10  }
0x35: {  	s10 =	sld [smem:$0x3FB9];
	_ =	sdelay $0x3  }
0x36: {  	p1 =	seq.s32 s10, $0x1;
	s10 =	sld [smem:$0x3FBA];
	_ =	sdelay $0x3  }
0x37: {  	[smem:$0x3FBA] =	sst s10  }
0x38: {  	s10 =	sld [smem:$0x3FBB]  }
0x39: {  	_ = 	snop;
	(pc) =	sbr.ind lr, $3  }
0x3a: {  	_ = 	snop  }
0x3b: {  	_ = 	snop  }
0x3c: {  	p2 =	seq.s32 s10, $0x1;
	s10 =	sld [smem:$0x3FBA]  }
0x3d: {  	_ =	shalt  }
0x3e: {  	_ =	shalt  }
0x3f: {  	_ =	shalt  }
0x40: {  	_ =	shalt  }
0x41: {  	_ =	shalt  }
0x42: {  	_ =	shalt  }
0x43: {  	_ =	shalt  }
0x44: {  	_ =	shalt  }
0x45: {  	_ =	shalt  }
0x46: {  	_ =	shalt  }
0x47: {  	_ =	shalt  }
0x48: {  	_ =	shalt  }
0x49: {  	_ =	shalt  }
0x4a: {  	_ =	shalt  }
0x4b: {  	_ =	shalt  }
0x4c: {  	_ =	shalt  }
0x4d: {  	_ =	shalt  }
0x4e: {  	_ =	shalt  }
0x4f: {  	_ =	shalt  }
0x50: {  	_ =	shalt  }
0x51: {  	_ =	shalt  }
0x52: {  	_ =	shalt  }
0x53: {  	_ =	shalt  }
0x54: {  	_ =	shalt  }
0x55: {  	_ =	shalt  }
0x56: {  	_ =	shalt  }
0x57: {  	_ =	shalt  }
0x58: {  	_ =	shalt  }
0x59: {  	_ =	shalt  }
0x5a: {  	_ =	shalt  }
0x5b: {  	_ =	shalt  }
0x5c: {  	_ =	shalt  }
0x5d: {  	_ =	shalt  }
0x5e: {  	_ =	shalt  }
0x5f: {  	_ =	shalt  }
0x60: {  	_ =	shalt  }
0x61: {  	_ =	shalt  }
0x62: {  	_ =	shalt  }
0x63: {  	_ =	shalt  }
0x64: {  	_ =	shalt  }
0x65: {  	_ =	shalt  }
0x66: {  	_ =	shalt  }
0x67: {  	_ =	shalt  }
0x68: {  	_ =	shalt  }
0x69: {  	_ =	shalt  }
0x6a: {  	_ =	shalt  }
0x6b: {  	_ =	shalt  }
0x6c: {  	_ =	shalt  }
0x6d: {  	_ =	shalt  }
0x6e: {  	_ =	shalt  }
0x6f: {  	_ =	shalt  }
0x70: {  	_ =	shalt  }
0x71: {  	_ =	shalt  }
0x72: {  	_ =	shalt  }
0x73: {  	_ =	shalt  }
0x74: {  	_ =	shalt  }
0x75: {  	_ =	shalt  }
0x76: {  	_ =	shalt  }
0x77: {  	_ =	shalt  }
0x78: {  	_ =	shalt  }
0x79: {  	_ =	shalt  }
0x7a: {  	_ =	shalt  }
0x7b: {  	_ =	shalt  }
0x7c: {  	_ =	shalt  }
0x7d: {  	_ =	shalt  }
0x7e: {  	_ =	shalt  }
0x7f: {  	_ =	shalt  }
0x80: {  	_ =	shalt  }
0x81: {  	_ =	shalt  }
0x82: {  	_ =	shalt  }
0x83: {  	_ =	shalt  }
0x84: {  	_ =	shalt  }
0x85: {  	_ =	shalt  }
0x86: {  	_ =	shalt  }
0x87: {  	_ =	shalt  }
.Lfunc_end0:
.L_simem_size_0:
called_computation_lowered:
.L_overlay_start_0:
0x88: {  	s2 =	sld [smem:$0x3FD9]  }
0x89: {  	s3 =	sld [smem:$0x3FFE];
	_ =	sdelay $0x1  }
0x8a: {  	s1 =	srdreg.scid  }
0x8b: {  	s0 =	sand.u32 $0x1, s1  }
0x8c: {  	s17 =	sshll.u32 s0, $0xA;
	s2 =	sadd.s32 s3, s2  }
0x8d: {  	s2 =	sadd.s32 s2, s17  }
0x8e: {  	[smem:$0x3FC6] =	sst s2  }
0x8f: {  	_ = 	snop  }
0x90: {  	s2 =	sld [smem:$0x3FC8]  }
0x91: {  	s18 =	sld [smem:$0x3FD0];
	(tm) =	ssettm $0x1  }
0x92: {  	s4 =	sld [smem:$0x3FFB];
	_ =	sdelay $0x3  }
0x93: {  	_ =	strace s4  }
0x94: {  	s4 =	sld [smem:$0x3FFC];
	_ =	sdelay $0x3  }
0x95: {  	_ =	strace s4  }
0x96: {  	s4 =	sld [smem:$0x3FFD];
	_ =	sdelay $0x3  }
0x97: {  	_ =	strace s4  }
0x98: {  	_ =	strace $0x8FFFFFFF  }
0x99: {  	s19 =	sld [smem:$0x3FDB];
	_ =	sdelay $0x1  }
0x9a: {  	s5 =	simm.s32 $_scs_section_size  }
0x9b: {  	s6 =	simm.s32 $_size__tile_overlayer_lowered;
	s7 =	simm.s32 $_tile_overlayer_lowered  }
0x9c: {  	s22 =	simm.s32 $0x1BFF;
	s21 =	sshll.u32 s7, $0x1;
	s4 =	sadd.s32 s5, s19  }
0x9d: {  	s8 =	simm.s32 $0x0;
	s20 =	sshll.u32 s6, $0x1;
	s6 =	sadd.s32 s21, s4  }
0x9e: {  	[timem:s8], [sflag:s22] =	dma.local [hbm:s6], s20  }
0x9f: {  	_ =	swait.ge [sflag:s22], s20  }
0xa0: {  	s5 =	ssub.s32 $0x0, s20;
	[sflag:s22] =	ssyncset.done $0x0  }
0xa1: {  	[sflag:s22] =	ssyncadd.s32 s5;
	_ =	sdelay $0x1  }
0xa2: {  	s23 =	simm.s32 $0x1B8B  }
0xa3: {  	_ =	swait.ge [sflag:s23], $0x1  }
0xa4: {  	[sflag:s23] =	ssyncset.done $0x0  }
0xa5: {  	s25 =	simm.s32 $0x1B8E;
	s24 =	sld [smem:$0x3FFE];
	[sflag:s23] =	ssyncadd.s32 $0xFFFFFFFF  }
0xa6: {  	s26 =	simm.s32 $execute0_lowered;
	[smem:$0x3FD2] =	sst s25  }
0xa7: {  	s6 =	sshll.u32 s26, $0x1;
	_ =	strace $0x80000046;
	[dreg:$0x1] =	wrdreg $0xFFFFFFFF  }
0xa8: {  	s28 =	simm.s32 $_size_execute0_lowered;
	s4 =	sadd.s32 s4, s6;
	[dreg:$0x0] =	wrdreg $0x0  }
0xa9: {  	s6 =	sshll.u32 s28, $0x1;
	[dreg:$0x2] =	wrdreg s4  }
0xaa: {  	[dreg:$0x3] =	wrdreg s6  }
0xab: {  	[dreg:$0x4] =	wrdreg $0xC0  }
0xac: {  	_ =	task [dreg:s8], $0x5FFFF  }
0xad: {  	[dreg:$0x1] =	wrdreg $0xFFFFFFFF  }
0xae: {  	[dreg:$0x0] =	wrdreg $0x60  }
0xaf: {  	[dreg:$0x2] =	wrdreg s24  }
0xb0: {  	[dreg:$0x3] =	wrdreg s2  }
0xb1: {  	[dreg:$0x4] =	wrdreg s18  }
0xb2: {  	[dreg:$0x5] =	wrdreg $0x9  }
0xb3: {  	_ =	task.clear_ibuf [dreg:s8], $0x6FFFF;
	_ =	strace $0x90000046  }
0xb4: {  	s29 =	simm.s32 $0x9;
	_ =	strace $0x80000048  }
0xb5: {  	_ =	swait.ge [sflag:s29], $0x1  }
0xb6: {  	[sflag:s29] =	ssyncadd.s32 $0xFFFFFFFF  }
0xb7: {  	_ =	strace $0x90000048  }
0xb8: {  	_ =	sfence  }
0xb9: {  	s30 =	sld [smem:$0x0];
	_ =	sdelay $0x2  }
0xba: {  	s31 =	sshll.u32 s1, $0xD;
	s1 =	sshrl.u32 s1, $0x2  }
0xbb: {  	s3 =	sand.u32 $0x4000, s31;
	s1 =	sadd.s32 s1, s30  }
0xbc: {  	s0 =	sor.u32 s3, s0;
	s1 =	sshll.u32 s1, $0x11  }
0xbd: {  	s0 =	sor.u32 s1, s0  }
0xbe: {  	s0 =	sadd.s32 $0x8F2B, s0  }
0xbf: {  	[sflag:s0] =	ssyncadd.remote.s32 $0x1  }
0xc0: {  	_ =	sfence.sel $0xFFFF  }
0xc1: {  	[dreg:$0x0] =	wrdreg $0xFFFFFFFF;
	(pc) =	sbr.abs _section_cstart, $3  }
0xc2: {  	[dreg:$0x1] =	wrdreg $0xFFFFFFFF  }
0xc3: {  	_ =	task.clear_ibuf [dreg:s8], $0x2FFFF;
	_ =	strace $0x9FFFFFFF  }
0xc4: {  	(tm) =	ssettm $0x7FFFFFFF  }
0xc5: {  	_ =	shalt  }
tec
execute0_lowered:
.L_overlay_start_1:
0x0: {  	(tag) =	ssettag $0x1  }
0x1: {  	s4 =	rddreg [dreg:$0x0]  }
0x2: {  	s2 =	rddreg [dreg:$0x1]  }
0x3: {  	s5 =	rddreg [dreg:$0x2];
	s3 =	srdreg.scid  }
0x4: {  	s0 =	rddreg [dreg:$0x3];
	s1 =	stileid.u32  }
0x5: {  	s9 =	simm.s32 $0x280;
	s10 =	simm.s32 $0x100;
	s11 =	simm.s32 $0x300  }
0x6: {  	s12 =	simm.s32 $0x180;
	s13 =	simm.s32 $0x380;
	s14 =	simm.s32 $0x1  }
0x7: {  	s15 =	simm.s32 $0x400;
	s16 =	simm.s32 $0x2;
	s17 =	simm.s32 $0x0  }
0x8: {  	s6 =	sand.u32 $0x1, s3;
	s3 =	simm.s32 $0x0;
	s7 =	sshll.u32 s1, $0xA  }
0x9: {  	s8 =	sshll.u32 s6, $0x9;
	[smem:$0x7FF] =	sst s3;
	s6 =	ssub.s32 $0x2, s6  }
0xa: {  	s7 =	sor.u32 s8, s7;
	_ =	strace $0x80000047;
	s31 =	sshrl.u32 s6, $0x1  }
0xb: {  	s8 =	sshrl.u32 s7, $0x3;
	s7 =	sshrl.u32 s7, $0x2;
	s6 =	ssub.s32 s6, s31  }
0xc: {  	s4 =	sadd.s32 s8, s4;
	s5 =	sadd.s32 s5, s7;
	s6 =	smax.u32 s6, $0x1  }
0xd: {  	v0 =	vimm.f32 $0.0e+00;
	s7 =	simm.s32 $0x3;
	s8 =	simm.s32 $0x80;
	s4 =	sadd.s32 $0xA00, s4  }
.LBB2_1:
0xe: {  	[tilespmem:s3], [sflag:$0x3] =	stream.linear.gather [hbm4b:s4+s3], $0x200, $0x38;
	[tilespmem:$0x800] =	vst v63  }
0xf: {  	_ =	swait.ge [sflag:s7], $0x200  }
0x10: {  	[sflag:s7] =	ssyncset.done $0x0  }
0x11: {  	s18 =	simm.s32 $0x200;
	[sflag:s7] =	ssyncadd.s32 $0xFFFFFE00  }
0x12: {  	[tilespmem:s18], [sflag:$0x1] =	stream.indirect.gather [hbm4b:s2+s8], $0x1, s3, s8, $0xb8;
	[tilespmem:$0x800] =	vst v63  }
0x13: {  	_ = 	snop  }
0x14: {  	[tilespmem:s9], [sflag:$0x1] =	stream.indirect.gather [hbm4b:s2+s8], $0x1, s8, s8, $0xb8;
	[tilespmem:$0x800] =	vst v63  }
0x15: {  	_ = 	snop  }
0x16: {  	[tilespmem:s11], [sflag:$0x1] =	stream.indirect.gather [hbm4b:s2+s8], $0x1, s10, s8, $0xb8;
	[tilespmem:$0x800] =	vst v63  }
0x17: {  	_ = 	snop  }
0x18: {  	[tilespmem:s13], [sflag:$0x1] =	stream.indirect.gather [hbm4b:s2+s8], $0x1, s12, s8, $0xb8;
	[tilespmem:$0x800] =	vst v63  }
0x19: {  	_ =	swait.ge [sflag:s14], $0x80  }
0x1a: {  	[sflag:s14] =	ssyncset.done $0x0  }
0x1b: {  	[sflag:s14] =	ssyncadd.s32 $0xFFFFFF80  }
0x1c: {  	_ =	swait.ge [sflag:s14], $0x80  }
0x1d: {  	[sflag:s14] =	ssyncset.done $0x0  }
0x1e: {  	[sflag:s14] =	ssyncadd.s32 $0xFFFFFF80  }
0x1f: {  	_ =	swait.ge [sflag:s14], $0x80  }
0x20: {  	[sflag:s14] =	ssyncset.done $0x0  }
0x21: {  	[sflag:s14] =	ssyncadd.s32 $0xFFFFFF80  }
0x22: {  	_ =	swait.ge [sflag:s14], $0x80  }
0x23: {  	[sflag:s14] =	ssyncset.done $0x0  }
0x24: {  	[sflag:s14] =	ssyncadd.s32 $0xFFFFFF80  }
0x25: {  	v1 =	vld [tilespmem:s18+$0x0];
	_ =	sdelay $0x4  }
0x26: {  	v2 =	vadd.f32 $1.000000000e-15, v1;
	_ =	sdelay $0x1  }
0x27: {  	v2 =	vand.u32 $0x7FFFFFFF, v2  }
0x28: {  	v3 =	vand.u32 $0x7FFFFF, v2  }
0x29: {  	v3 =	vor.u32 $0x3F800000, v3  }
0x2a: {  	v4 =	vadd.f32 $1.000000000e+00, v3;
	_ =	sdelay $0x1  }
0x2b: {  	(erf) = vrcp.f32 v4;
	_ =	sdelay $0x7  }
0x2c: {  	v3 =	vadd.f32 $-1.000000000e+00, v3  }
0x2d: {  	v4 =	vpop (erf)  }
0x2e: {  	v3 =	vmul.f32 v4, v3;
	_ =	sdelay $0x1  }
0x2f: {  	v4 =	vmul.f32 v3, v3;
	_ =	sdelay $0x1  }
0x30: {  	v5 =	vmul.f32 $2.222222240e-01, v4;
	_ =	sdelay $0x1  }
0x31: {  	v5 =	vadd.f32 $2.857142980e-01, v5;
	_ =	sdelay $0x1  }
0x32: {  	v5 =	vmul.f32 v5, v4;
	_ =	sdelay $0x1  }
0x33: {  	v5 =	vadd.f32 $4.000000060e-01, v5;
	_ =	sdelay $0x1  }
0x34: {  	v5 =	vmul.f32 v5, v4;
	_ =	sdelay $0x1  }
0x35: {  	v5 =	vadd.f32 $6.666666860e-01, v5  }
0x36: {  	v2 =	vshrl.u32 v2, $0x17  }
0x37: {  	v2 =	vcvt.s32.f32 v2;
	v4 =	vmul.f32 v5, v4;
	_ =	sdelay $0x1  }
0x38: {  	v2 =	vadd.f32 $-1.270000000e+02, v2;
	v4 =	vadd.f32 $2.000000000e+00, v4;
	_ =	sdelay $0x1  }
0x39: {  	v2 =	vmul.f32 $6.931471820e-01, v2;
	v3 =	vmul.f32 v4, v3  }
0x3a: {  	s31 =	sand.u32 $0x70, s3;
	s19 =	sand.u32 $0x300, s3;
	vm0 =	vlt.f32 v1, $0.0e+00  }
0x3b: {  	s18 =	sor.u32 s31, s19;
	v1 =	vsel vm0, $0x40490FDB, v0;
	v2 =	vadd.f32 v3, v2  }
0x3c: {  	[tilespmem:s18+$0x480] =	vst v1  }
0x3d: {  	s20 =	simm.s32 $0x210;
	[tilespmem:s18+$0x400] =	vst v2  }
0x3e: {  	s21 =	simm.s32 $0x20;
	s19 =	simm.s32 $0x0;
	s18 =	simm.s32 $0x10;
	v1 =	vld [tilespmem:s20+$0x0]  }
.LBB2_2:
0x3f: {  	p0 =	sne.s32 s21, $0x1F0;
	_ =	sdelay $0x2  }
0x40: {  	s19 =	sadd.s32 $0x20, s19  }
0x41: {  	s22 =	sand.u32 $0x70, s18;
	s18 =	smov.u32 s21;
	s23 =	sand.u32 $0x300, s19;
	v2 =	vadd.f32 $1.000000000e-15, v1;
	vm0 =	vlt.f32 v1, $0.0e+00  }
0x42: {  	s22 =	sor.u32 s22, s23;
	v1 =	vsel vm0, $0x40490FDB, v0  }
0x43: {  	v2 =	vand.u32 $0x7FFFFFFF, v2;
	[tilespmem:s22+$0x480] =	vst v1  }
0x44: {  	v1 =	vand.u32 $0x7FFFFF, v2  }
0x45: {  	v1 =	vor.u32 $0x3F800000, v1  }
0x46: {  	v3 =	vadd.f32 $1.000000000e+00, v1;
	_ =	sdelay $0x1  }
0x47: {  	(erf) = vrcp.f32 v3;
	_ =	sdelay $0x7  }
0x48: {  	v1 =	vadd.f32 $-1.000000000e+00, v1  }
0x49: {  	v3 =	vpop (erf)  }
0x4a: {  	v1 =	vmul.f32 v3, v1;
	_ =	sdelay $0x1  }
0x4b: {  	v3 =	vmul.f32 v1, v1;
	_ =	sdelay $0x1  }
0x4c: {  	v4 =	vmul.f32 $2.222222240e-01, v3;
	_ =	sdelay $0x1  }
0x4d: {  	v4 =	vadd.f32 $2.857142980e-01, v4;
	_ =	sdelay $0x1  }
0x4e: {  	v4 =	vmul.f32 v4, v3;
	_ =	sdelay $0x1  }
0x4f: {  	v4 =	vadd.f32 $4.000000060e-01, v4;
	_ =	sdelay $0x1  }
0x50: {  	v4 =	vmul.f32 v4, v3;
	_ =	sdelay $0x1  }
0x51: {  	v4 =	vadd.f32 $6.666666860e-01, v4  }
0x52: {  	v2 =	vshrl.u32 v2, $0x17  }
0x53: {  	v2 =	vcvt.s32.f32 v2;
	v3 =	vmul.f32 v4, v3;
	_ =	sdelay $0x1  }
0x54: {  	v2 =	vadd.f32 $-1.270000000e+02, v2;
	v3 =	vadd.f32 $2.000000000e+00, v3;
	_ =	sdelay $0x1  }
0x55: {  	v2 =	vmul.f32 $6.931471820e-01, v2;
	v1 =	vmul.f32 v3, v1  }
.Ltmp0:
0x56: {  	(pc) =	sbr.rel @p0 .LBB2_2-.Ltmp0, $3  }
0x57: {  	v1 =	vadd.f32 v1, v2;
	_ =	sdelay $0x1  }
0x58: {  	s20 =	sadd.s32 $0x10, s20;
	[tilespmem:s22+$0x400] =	vst v1  }
0x59: {  	s21 =	sadd.s32 $0x10, s21;
	v1 =	vld [tilespmem:s20+$0x0]  }
0x5a: {  	_ =	sdelay $0x3  }
0x5b: {  	v2 =	vadd.f32 $1.000000000e-15, v1;
	_ =	sdelay $0x1  }
0x5c: {  	v2 =	vand.u32 $0x7FFFFFFF, v2  }
0x5d: {  	v3 =	vand.u32 $0x7FFFFF, v2  }
0x5e: {  	v3 =	vor.u32 $0x3F800000, v3  }
0x5f: {  	v4 =	vadd.f32 $1.000000000e+00, v3;
	_ =	sdelay $0x1  }
0x60: {  	(erf) = vrcp.f32 v4;
	_ =	sdelay $0x7  }
0x61: {  	v3 =	vadd.f32 $-1.000000000e+00, v3  }
0x62: {  	v4 =	vpop (erf)  }
0x63: {  	v3 =	vmul.f32 v4, v3;
	_ =	sdelay $0x1  }
0x64: {  	v4 =	vmul.f32 v3, v3;
	_ =	sdelay $0x1  }
0x65: {  	v5 =	vmul.f32 $2.222222240e-01, v4;
	_ =	sdelay $0x1  }
0x66: {  	v5 =	vadd.f32 $2.857142980e-01, v5;
	_ =	sdelay $0x1  }
0x67: {  	v5 =	vmul.f32 v5, v4;
	_ =	sdelay $0x1  }
0x68: {  	v5 =	vadd.f32 $4.000000060e-01, v5;
	_ =	sdelay $0x1  }
0x69: {  	v5 =	vmul.f32 v5, v4;
	_ =	sdelay $0x1  }
0x6a: {  	v5 =	vadd.f32 $6.666666860e-01, v5  }
0x6b: {  	v2 =	vshrl.u32 v2, $0x17  }
0x6c: {  	v2 =	vcvt.s32.f32 v2;
	v4 =	vmul.f32 v5, v4;
	_ =	sdelay $0x1  }
0x6d: {  	v2 =	vadd.f32 $-1.270000000e+02, v2;
	v4 =	vadd.f32 $2.000000000e+00, v4;
	_ =	sdelay $0x1  }
0x6e: {  	s19 =	sadd.s32 $0x20, s19;
	v2 =	vmul.f32 $6.931471820e-01, v2;
	v3 =	vmul.f32 v4, v3  }
0x6f: {  	s18 =	sand.u32 $0x70, s18;
	s19 =	sand.u32 $0x300, s19;
	vm0 =	vlt.f32 v1, $0.0e+00  }
0x70: {  	s17 =	sadd.s32 $0x1, s17;
	s18 =	sor.u32 s18, s19;
	v1 =	vsel vm0, $0x40490FDB, v0;
	v2 =	vadd.f32 v3, v2  }
0x71: {  	p0 =	sne.s32 s17, s6;
	[tilespmem:s18+$0x480] =	vst v1  }
.Ltmp1:
0x72: {  	[tilespmem:s18+$0x400] =	vst v2;
	(pc) =	sbr.rel @p0 .LBB2_1-.Ltmp1, $4  }
0x73: {  	[hbm4b:s5+s3] =	stream.linear.scatter [tilespmem:s15], [sflag:$0x2], $0x400, $0x38;
	[tilespmem:$0x800] =	vst v63  }
0x74: {  	_ =	swait.ge [sflag:s16], $0x400  }
0x75: {  	[sflag:s16] =	ssyncset.done $0x0  }
0x76: {  	[sflag:s16] =	ssyncadd.s32 $0xFFFFFC00  }
0x77: {  	_ =	sfence.sel $0x180000  }
0x78: {  	[bflag:$0x0] =	sbarrier.arrive $0xFFFF  }
0x79: {  	p0 =	sne.s32 s1, $0x0;
	_ =	strace $0x90000047  }
0x7a: {  	s0 =	sadd.s32 @!p0 $0x100000, s0;
	[bflag:$0x2] =	sbarrier.arrive $0xFFFF  }
0x7b: {  	[sflag:s0] =	ssyncadd.tile.s32 @!p0 $0x1;
	_ =	shalt  }
.Lfunc_end2:
_tile_overlayer_lowered:
.L_overlay_start_2:
0x7c: {  	(tag) =	ssettag $0x2  }
0x7d: {  	s0 =	rddreg [dreg:$0x0];
	s2 =	stileid.u32  }
0x7e: {  	s1 =	rddreg [dreg:$0x1];
	p0 =	sne.s32 s2, $0x0  }
0x7f: {  	s3 =	rddreg [dreg:$0x2];
	[bflag:$0x3] =	sbarrier.arrive $0xFFFF;
	s2 =	simm.s32 @!p0 $0x1C03  }
0x80: {  	[timem:s3], [sflag:s2] =	dma.local @!p0 [hbm:s0], s1  }
0x81: {  	s0 =	simm.s32 @!p0 $0x3  }
0x82: {  	_ =	swait.ge @!p0 [sflag:s0], s1  }
0x83: {  	s1 =	ssub.s32 @!p0 $0x0, s1;
	[sflag:s0] =	ssyncset.done @!p0 $0x0  }
0x84: {  	[sflag:s0] =	ssyncadd.s32 @!p0 s1  }
0x85: {  	[bflag:$0x3] =	sbarrier.arrive $0xFFFF  }
0x86: {  	_ =	shalt  }

</sc_bundles>
